<compile_context>
chip_gen: v7x
topology: tpu7x:2x2x1
jax: 0.10.2.dev20260603
libtpu: 0.0.44.dev20260713+nightly
codegen_flags: <defaults>
</compile_context>

<pallas_src>
import functools
import math

import jax
import jax.numpy as jnp
from jax import lax
from jax.experimental import pallas as pl
from jax.experimental.pallas import tpu as pltpu
from jax.experimental.pallas import tpu_sc as plsc

EMBED_DIM = 64
PADDED_DIM = 128
NUM_CORES = 2
NUM_SUBCORES = 16
NUM_WORKERS = NUM_CORES * NUM_SUBCORES
CHUNK = 128
TBLK = 20480

_mesh = plsc.VectorSubcoreMesh(
    core_axis_name="c",
    subcore_axis_name="s",
    num_cores=NUM_CORES,
    num_subcores=NUM_SUBCORES,
)


def _tc_stage(tab_t):
    d, v = tab_t.shape

    def body(in_ref, out_ref):
        out_ref[:, 0:EMBED_DIM] = in_ref[...].T

    return pl.pallas_call(
        body,
        grid=(math.ceil(v / TBLK),),
        in_specs=[pl.BlockSpec((d, TBLK), lambda g: (0, g))],
        out_specs=pl.BlockSpec((TBLK, PADDED_DIM), lambda g: (g, 0)),
        out_shape=jax.ShapeDtypeStruct((v, PADDED_DIM), jnp.float32),
    )(tab_t)


SEQ_PAD = 56


@functools.partial(jax.jit, static_argnames=("seq", "batch"))
def _lookup(ids_t, table_p, seq, batch):

    @functools.partial(
        pl.kernel,
        out_type=jax.ShapeDtypeStruct((batch, SEQ_PAD, PADDED_DIM), jnp.float32),
        mesh=_mesh,
        compiler_params=pltpu.CompilerParams(use_tc_tiling_on_sc=False),
        scratch_types=[
            pltpu.VMEM((seq, CHUNK), jnp.int32),
            pltpu.VMEM((CHUNK, PADDED_DIM), jnp.float32),
            pltpu.VMEM((CHUNK, PADDED_DIM), jnp.float32),
            pltpu.SemaphoreType.DMA,
            pltpu.SemaphoreType.DMA,
        ],
    )
    def body(ids_hbm, table_hbm, out_hbm, idx_v, buf0, buf1, sem0, sem1):
        wid = lax.axis_index("s") * NUM_CORES + lax.axis_index("c")
        b0 = wid * CHUNK
        pltpu.sync_copy(ids_hbm.at[:, pl.ds(b0, CHUNK)], idx_v)

        bufs = (buf0, buf1)
        sems = (sem0, sem1)

        pltpu.async_copy(table_hbm.at[idx_v.at[0]], buf0, sem0)
        pltpu.async_copy(table_hbm.at[idx_v.at[1]], buf1, sem1)

        @pl.loop(0, seq - 2, step=2)
        def _(g):
            for b in range(2):
                s = g + b
                pltpu.make_async_copy(
                    table_hbm.at[idx_v.at[s]], bufs[b], sems[b]
                ).wait()
                pltpu.sync_copy(
                    bufs[b].at[:, pl.ds(0, EMBED_DIM)],
                    out_hbm.at[pl.ds(b0, CHUNK), s, pl.ds(0, EMBED_DIM)],
                )
                pltpu.async_copy(table_hbm.at[idx_v.at[s + 2]], bufs[b], sems[b])

        for b in range(2):
            s = seq - 2 + b
            pltpu.make_async_copy(
                table_hbm.at[idx_v.at[s]], bufs[b], sems[b]
            ).wait()
            pltpu.sync_copy(
                    bufs[b].at[:, pl.ds(0, EMBED_DIM)],
                    out_hbm.at[pl.ds(b0, CHUNK), s, pl.ds(0, EMBED_DIM)],
                )

    return body(ids_t, table_p)


def kernel(token_ids, table):
    batch, seq = token_ids.shape
    assert batch == NUM_WORKERS * CHUNK and seq % 2 == 0 and seq <= SEQ_PAD
    ids_t = token_ids.T.astype(jnp.int32)
    table_p = _tc_stage(table.T)
    out6 = _lookup(ids_t, table_p, seq, batch)
    return out6[:, :seq, :EMBED_DIM]

# --- scband reference (transcript-rebuilt; emitter-appended) ---
"""Pipeline reference for scband-lookup-nn-47442208751863 (READ-ONLY COPY).

The authoritative reference and input builder live on the scoring server;
editing this copy changes nothing except your own understanding.
"""

import jax, jax.numpy as jnp
import numpy as np

VOCAB = 1000000
EMBED_DIM = 64
BATCH = 4096
SEQ = 50

def setup_inputs(seed: int = 0) -> dict:
    key = jax.random.key(seed)
    k_ids, k_tab = jax.random.split(key)
    token_ids = jax.random.randint(k_ids, (BATCH, SEQ), 0, VOCAB, dtype=jnp.int64 if jax.config.jax_enable_x64 else jnp.int32)
    # nn.Embedding default init: N(0, 1)
    table = jax.random.normal(k_tab, (VOCAB, EMBED_DIM), dtype=jnp.float32)
    return {"token_ids": token_ids, "table": table}

def reference(token_ids, table):
    # Faithful translation of nn.Embedding lookup: out[b, s, :] = table[token_ids[b, s], :]
    return jnp.take(table, token_ids, axis=0)

if __name__ == "__main__":
    import jax
    _d = setup_inputs()
    print(jax.jit(kernel)(*tuple(_d.values())))

</pallas_src>

<mosaic_0001>
#map = affine_map<(d0, d1) -> (0, 0)>
#map1 = affine_map<(d0, d1) -> (0, 0, 0)>
module attributes {stable_mosaic.version = 14 : i64} {
  func.func @body(%arg0: i32, %arg1: i32, %arg2: memref<50x4096xi32, #tpu.memory_space<hbm>>, %arg3: memref<1000000x128xf32, #tpu.memory_space<hbm>>, %arg4: memref<4096x56x128xf32, #tpu.memory_space<hbm>>, %arg5: memref<50x128xi32, #tpu.memory_space<vmem>>, %arg6: memref<128x128xf32, #tpu.memory_space<vmem>>, %arg7: memref<128x128xf32, #tpu.memory_space<vmem>>, %arg8: memref<!tpu.dma_semaphore, #tpu.memory_space<semaphore_mem>>, %arg9: memref<!tpu.dma_semaphore, #tpu.memory_space<semaphore_mem>>) attributes {dimension_semantics = [#tpu.dimension_semantics<core_parallel>, #tpu.dimension_semantics<subcore_parallel>], iteration_bounds = array<i64: 2, 16>, scalar_prefetch = 0 : i64, scratch_operands = 5 : i64, tpu.core_type = #tpu.core_type<sc_vector_subcore>, window_params = [{transform_indices = #map}, {transform_indices = #map}, {transform_indices = #map1}]} {
    %mul3A = arith.constant 2 : i32
    %mul3A_0 = arith.muli %arg1, %mul3A : i32
    %add3A = arith.addi %mul3A_0, %arg0 : i32
    %mul3A_1 = arith.constant 128 : i32
    %mul3A_2 = arith.muli %add3A, %mul3A_1 : i32
    "tpu.region"() ({
      %run_scoped3A_34 = tpu.sem_alloc : memref<!tpu.dma_semaphore, #tpu.memory_space<semaphore_mem>>
      %dma_start3A_35 = arith.constant 0 : i32
      %dma_start3A_36 = tpu.memref_slice %arg2[%dma_start3A_35, %mul3A_2] : memref<50x4096xi32, #tpu.memory_space<hbm>> -> memref<50x128xi32, #tpu.memory_space<hbm>>
      %dma_start3A_37 = arith.constant 0 : i32
      %dma_start3A_38 = tpu.memref_slice %arg2[%dma_start3A_37, %mul3A_2] : memref<50x4096xi32, #tpu.memory_space<hbm>> -> memref<50x128xi32, #tpu.memory_space<hbm>>
      tpu.enqueue_dma source(%dma_start3A_38 : memref<50x128xi32, #tpu.memory_space<hbm>>) target(%arg5 : memref<50x128xi32, #tpu.memory_space<vmem>>) target_semaphore(%run_scoped3A_34 : memref<!tpu.dma_semaphore, #tpu.memory_space<semaphore_mem>>)
      %dma_wait3A_39 = arith.constant 0 : i32
      %dma_wait3A_40 = tpu.memref_slice %arg2[%dma_wait3A_39, %mul3A_2] : memref<50x4096xi32, #tpu.memory_space<hbm>> -> memref<50x128xi32, #tpu.memory_space<hbm>>
      %dma_wait3A_41 = arith.constant 0 : i32
      %dma_wait3A_42 = tpu.memref_slice %arg2[%dma_wait3A_41, %mul3A_2] : memref<50x4096xi32, #tpu.memory_space<hbm>> -> memref<50x128xi32, #tpu.memory_space<hbm>>
      tpu.wait_dma2 semaphore(%run_scoped3A_34 : memref<!tpu.dma_semaphore, #tpu.memory_space<semaphore_mem>>) src(%dma_wait3A_42 : memref<50x128xi32, #tpu.memory_space<hbm>>) dst(%arg5 : memref<50x128xi32, #tpu.memory_space<vmem>>)
      tpu.yield
    }) : () -> ()
    %dma_start3A = arith.constant 0 : i32
    %dma_start3A_3 = arith.constant 0 : i32
    %dma_start3A_4 = tpu.memref_slice %arg5[%dma_start3A, %dma_start3A_3] : memref<50x128xi32, #tpu.memory_space<vmem>> -> memref<1x128xi32, #tpu.memory_space<vmem>>
    %dma_start3A_5 = tpu.memref_squeeze %dma_start3A_4 : memref<1x128xi32, #tpu.memory_space<vmem>> -> memref<128xi32, #tpu.memory_space<vmem>>
    %dma_start3A_6 = arith.constant 0 : i32
    %dma_start3A_7 = arith.constant 0 : i32
    %dma_start3A_8 = tpu.memref_slice %arg3[%dma_start3A_6, %dma_start3A_7] : memref<1000000x128xf32, #tpu.memory_space<hbm>> -> memref<1000000x128xf32, #tpu.memory_space<hbm>>
    tpu.enqueue_indirect_dma source(%dma_start3A_8 : memref<1000000x128xf32, #tpu.memory_space<hbm>>) target(%arg6 : memref<128x128xf32, #tpu.memory_space<vmem>>) offsets(%dma_start3A_5 : memref<128xi32, #tpu.memory_space<vmem>>) semaphore(%arg8 : memref<!tpu.dma_semaphore, #tpu.memory_space<semaphore_mem>>)
    %dma_start3A_9 = arith.constant 1 : i32
    %dma_start3A_10 = arith.constant 0 : i32
    %dma_start3A_11 = tpu.memref_slice %arg5[%dma_start3A_9, %dma_start3A_10] : memref<50x128xi32, #tpu.memory_space<vmem>> -> memref<1x128xi32, #tpu.memory_space<vmem>>
    %dma_start3A_12 = tpu.memref_squeeze %dma_start3A_11 : memref<1x128xi32, #tpu.memory_space<vmem>> -> memref<128xi32, #tpu.memory_space<vmem>>
    %dma_start3A_13 = arith.constant 0 : i32
    %dma_start3A_14 = arith.constant 0 : i32
    %dma_start3A_15 = tpu.memref_slice %arg3[%dma_start3A_13, %dma_start3A_14] : memref<1000000x128xf32, #tpu.memory_space<hbm>> -> memref<1000000x128xf32, #tpu.memory_space<hbm>>
    tpu.enqueue_indirect_dma source(%dma_start3A_15 : memref<1000000x128xf32, #tpu.memory_space<hbm>>) target(%arg7 : memref<128x128xf32, #tpu.memory_space<vmem>>) offsets(%dma_start3A_12 : memref<128xi32, #tpu.memory_space<vmem>>) semaphore(%arg9 : memref<!tpu.dma_semaphore, #tpu.memory_space<semaphore_mem>>)
    %scan3A = arith.constant 0 : i32
    %scan3A_16 = arith.constant 24 : i32
    %scan3A_17 = arith.addi %scan3A, %scan3A_16 : i32
    %scan3A_18 = arith.constant 1 : i32
    scf.for %scan3A_34 = %scan3A to %scan3A_17 step %scan3A_18  : i32 {
      %mul3A_35 = arith.constant 2 : i32
      %mul3A_36 = arith.muli %scan3A_34, %mul3A_35 : i32
      %add3A_37 = arith.constant 0 : i32
      %add3A_38 = arith.addi %add3A_37, %mul3A_36 : i32
      %add3A_39 = arith.constant 0 : i32
      %add3A_40 = arith.addi %add3A_38, %add3A_39 : i32
      %dma_wait3A_41 = arith.constant 0 : i32
      %dma_wait3A_42 = tpu.memref_slice %arg5[%add3A_40, %dma_wait3A_41] : memref<50x128xi32, #tpu.memory_space<vmem>> -> memref<1x128xi32, #tpu.memory_space<vmem>>
      %dma_wait3A_43 = tpu.memref_squeeze %dma_wait3A_42 : memref<1x128xi32, #tpu.memory_space<vmem>> -> memref<128xi32, #tpu.memory_space<vmem>>
      %dma_wait3A_44 = arith.constant 0 : i32
      %dma_wait3A_45 = arith.constant 0 : i32
      %dma_wait3A_46 = tpu.memref_slice %arg3[%dma_wait3A_44, %dma_wait3A_45] : memref<1000000x128xf32, #tpu.memory_space<hbm>> -> memref<1000000x128xf32, #tpu.memory_space<hbm>>
      tpu.wait_indirect_dma semaphore(%arg8 : memref<!tpu.dma_semaphore, #tpu.memory_space<semaphore_mem>>) src(%dma_wait3A_46 : memref<1000000x128xf32, #tpu.memory_space<hbm>>) dst(%arg6 : memref<128x128xf32, #tpu.memory_space<vmem>>)
      "tpu.region"() ({
        %run_scoped3A_71 = tpu.sem_alloc : memref<!tpu.dma_semaphore, #tpu.memory_space<semaphore_mem>>
        %dma_start3A_72 = arith.constant 0 : i32
        %dma_start3A_73 = arith.constant 0 : i32
        %dma_start3A_74 = tpu.memref_slice %arg6[%dma_start3A_72, %dma_start3A_73] : memref<128x128xf32, #tpu.memory_space<vmem>> -> memref<128x64xf32, #tpu.memory_space<vmem>>
        %dma_start3A_75 = arith.constant 0 : i32
        %dma_start3A_76 = tpu.memref_slice %arg4[%mul3A_2, %add3A_40, %dma_start3A_75] : memref<4096x56x128xf32, #tpu.memory_space<hbm>> -> memref<128x1x64xf32, #tpu.memory_space<hbm>>
        %dma_start3A_77 = tpu.memref_squeeze %dma_start3A_76 : memref<128x1x64xf32, #tpu.memory_space<hbm>> -> memref<128x64xf32, #tpu.memory_space<hbm>>
        %dma_start3A_78 = arith.constant 0 : i32
        %dma_start3A_79 = tpu.memref_slice %arg4[%mul3A_2, %add3A_40, %dma_start3A_78] : memref<4096x56x128xf32, #tpu.memory_space<hbm>> -> memref<128x1x64xf32, #tpu.memory_space<hbm>>
        %dma_start3A_80 = tpu.memref_squeeze %dma_start3A_79 : memref<128x1x64xf32, #tpu.memory_space<hbm>> -> memref<128x64xf32, #tpu.memory_space<hbm>>
        %dma_start3A_81 = arith.constant 0 : i32
        %dma_start3A_82 = arith.constant 0 : i32
        %dma_start3A_83 = tpu.memref_slice %arg6[%dma_start3A_81, %dma_start3A_82] : memref<128x128xf32, #tpu.memory_space<vmem>> -> memref<128x64xf32, #tpu.memory_space<vmem>>
        tpu.enqueue_dma source(%dma_start3A_83 : memref<128x64xf32, #tpu.memory_space<vmem>>) target(%dma_start3A_80 : memref<128x64xf32, #tpu.memory_space<hbm>>) target_semaphore(%run_scoped3A_71 : memref<!tpu.dma_semaphore, #tpu.memory_space<semaphore_mem>>)
        %dma_wait3A_84 = arith.constant 0 : i32
        %dma_wait3A_85 = arith.constant 0 : i32
        %dma_wait3A_86 = tpu.memref_slice %arg6[%dma_wait3A_84, %dma_wait3A_85] : memref<128x128xf32, #tpu.memory_space<vmem>> -> memref<128x64xf32, #tpu.memory_space<vmem>>
        %dma_wait3A_87 = arith.constant 0 : i32
        %dma_wait3A_88 = tpu.memref_slice %arg4[%mul3A_2, %add3A_40, %dma_wait3A_87] : memref<4096x56x128xf32, #tpu.memory_space<hbm>> -> memref<128x1x64xf32, #tpu.memory_space<hbm>>
        %dma_wait3A_89 = tpu.memref_squeeze %dma_wait3A_88 : memref<128x1x64xf32, #tpu.memory_space<hbm>> -> memref<128x64xf32, #tpu.memory_space<hbm>>
        %dma_wait3A_90 = arith.constant 0 : i32
        %dma_wait3A_91 = tpu.memref_slice %arg4[%mul3A_2, %add3A_40, %dma_wait3A_90] : memref<4096x56x128xf32, #tpu.memory_space<hbm>> -> memref<128x1x64xf32, #tpu.memory_space<hbm>>
        %dma_wait3A_92 = tpu.memref_squeeze %dma_wait3A_91 : memref<128x1x64xf32, #tpu.memory_space<hbm>> -> memref<128x64xf32, #tpu.memory_space<hbm>>
        %dma_wait3A_93 = arith.constant 0 : i32
        %dma_wait3A_94 = arith.constant 0 : i32
        %dma_wait3A_95 = tpu.memref_slice %arg6[%dma_wait3A_93, %dma_wait3A_94] : memref<128x128xf32, #tpu.memory_space<vmem>> -> memref<128x64xf32, #tpu.memory_space<vmem>>
        tpu.wait_dma2 semaphore(%run_scoped3A_71 : memref<!tpu.dma_semaphore, #tpu.memory_space<semaphore_mem>>) src(%dma_wait3A_95 : memref<128x64xf32, #tpu.memory_space<vmem>>) dst(%dma_wait3A_92 : memref<128x64xf32, #tpu.memory_space<hbm>>)
        tpu.yield
      }) : () -> ()
      %add3A_47 = arith.constant 2 : i32
      %add3A_48 = arith.addi %add3A_40, %add3A_47 : i32
      %dma_start3A_49 = arith.constant 0 : i32
      %dma_start3A_50 = tpu.memref_slice %arg5[%add3A_48, %dma_start3A_49] : memref<50x128xi32, #tpu.memory_space<vmem>> -> memref<1x128xi32, #tpu.memory_space<vmem>>
      %dma_start3A_51 = tpu.memref_squeeze %dma_start3A_50 : memref<1x128xi32, #tpu.memory_space<vmem>> -> memref<128xi32, #tpu.memory_space<vmem>>
      %dma_start3A_52 = arith.constant 0 : i32
      %dma_start3A_53 = arith.constant 0 : i32
      %dma_start3A_54 = tpu.memref_slice %arg3[%dma_start3A_52, %dma_start3A_53] : memref<1000000x128xf32, #tpu.memory_space<hbm>> -> memref<1000000x128xf32, #tpu.memory_space<hbm>>
      tpu.enqueue_indirect_dma source(%dma_start3A_54 : memref<1000000x128xf32, #tpu.memory_space<hbm>>) target(%arg6 : memref<128x128xf32, #tpu.memory_space<vmem>>) offsets(%dma_start3A_51 : memref<128xi32, #tpu.memory_space<vmem>>) semaphore(%arg8 : memref<!tpu.dma_semaphore, #tpu.memory_space<semaphore_mem>>)
      %add3A_55 = arith.constant 1 : i32
      %add3A_56 = arith.addi %add3A_38, %add3A_55 : i32
      %dma_wait3A_57 = arith.constant 0 : i32
      %dma_wait3A_58 = tpu.memref_slice %arg5[%add3A_56, %dma_wait3A_57] : memref<50x128xi32, #tpu.memory_space<vmem>> -> memref<1x128xi32, #tpu.memory_space<vmem>>
      %dma_wait3A_59 = tpu.memref_squeeze %dma_wait3A_58 : memref<1x128xi32, #tpu.memory_space<vmem>> -> memref<128xi32, #tpu.memory_space<vmem>>
      %dma_wait3A_60 = arith.constant 0 : i32
      %dma_wait3A_61 = arith.constant 0 : i32
      %dma_wait3A_62 = tpu.memref_slice %arg3[%dma_wait3A_60, %dma_wait3A_61] : memref<1000000x128xf32, #tpu.memory_space<hbm>> -> memref<1000000x128xf32, #tpu.memory_space<hbm>>
      tpu.wait_indirect_dma semaphore(%arg9 : memref<!tpu.dma_semaphore, #tpu.memory_space<semaphore_mem>>) src(%dma_wait3A_62 : memref<1000000x128xf32, #tpu.memory_space<hbm>>) dst(%arg7 : memref<128x128xf32, #tpu.memory_space<vmem>>)
      "tpu.region"() ({
        %run_scoped3A_71 = tpu.sem_alloc : memref<!tpu.dma_semaphore, #tpu.memory_space<semaphore_mem>>
        %dma_start3A_72 = arith.constant 0 : i32
        %dma_start3A_73 = arith.constant 0 : i32
        %dma_start3A_74 = tpu.memref_slice %arg7[%dma_start3A_72, %dma_start3A_73] : memref<128x128xf32, #tpu.memory_space<vmem>> -> memref<128x64xf32, #tpu.memory_space<vmem>>
        %dma_start3A_75 = arith.constant 0 : i32
        %dma_start3A_76 = tpu.memref_slice %arg4[%mul3A_2, %add3A_56, %dma_start3A_75] : memref<4096x56x128xf32, #tpu.memory_space<hbm>> -> memref<128x1x64xf32, #tpu.memory_space<hbm>>
        %dma_start3A_77 = tpu.memref_squeeze %dma_start3A_76 : memref<128x1x64xf32, #tpu.memory_space<hbm>> -> memref<128x64xf32, #tpu.memory_space<hbm>>
        %dma_start3A_78 = arith.constant 0 : i32
        %dma_start3A_79 = tpu.memref_slice %arg4[%mul3A_2, %add3A_56, %dma_start3A_78] : memref<4096x56x128xf32, #tpu.memory_space<hbm>> -> memref<128x1x64xf32, #tpu.memory_space<hbm>>
        %dma_start3A_80 = tpu.memref_squeeze %dma_start3A_79 : memref<128x1x64xf32, #tpu.memory_space<hbm>> -> memref<128x64xf32, #tpu.memory_space<hbm>>
        %dma_start3A_81 = arith.constant 0 : i32
        %dma_start3A_82 = arith.constant 0 : i32
        %dma_start3A_83 = tpu.memref_slice %arg7[%dma_start3A_81, %dma_start3A_82] : memref<128x128xf32, #tpu.memory_space<vmem>> -> memref<128x64xf32, #tpu.memory_space<vmem>>
        tpu.enqueue_dma source(%dma_start3A_83 : memref<128x64xf32, #tpu.memory_space<vmem>>) target(%dma_start3A_80 : memref<128x64xf32, #tpu.memory_space<hbm>>) target_semaphore(%run_scoped3A_71 : memref<!tpu.dma_semaphore, #tpu.memory_space<semaphore_mem>>)
        %dma_wait3A_84 = arith.constant 0 : i32
        %dma_wait3A_85 = arith.constant 0 : i32
        %dma_wait3A_86 = tpu.memref_slice %arg7[%dma_wait3A_84, %dma_wait3A_85] : memref<128x128xf32, #tpu.memory_space<vmem>> -> memref<128x64xf32, #tpu.memory_space<vmem>>
        %dma_wait3A_87 = arith.constant 0 : i32
        %dma_wait3A_88 = tpu.memref_slice %arg4[%mul3A_2, %add3A_56, %dma_wait3A_87] : memref<4096x56x128xf32, #tpu.memory_space<hbm>> -> memref<128x1x64xf32, #tpu.memory_space<hbm>>
        %dma_wait3A_89 = tpu.memref_squeeze %dma_wait3A_88 : memref<128x1x64xf32, #tpu.memory_space<hbm>> -> memref<128x64xf32, #tpu.memory_space<hbm>>
        %dma_wait3A_90 = arith.constant 0 : i32
        %dma_wait3A_91 = tpu.memref_slice %arg4[%mul3A_2, %add3A_56, %dma_wait3A_90] : memref<4096x56x128xf32, #tpu.memory_space<hbm>> -> memref<128x1x64xf32, #tpu.memory_space<hbm>>
        %dma_wait3A_92 = tpu.memref_squeeze %dma_wait3A_91 : memref<128x1x64xf32, #tpu.memory_space<hbm>> -> memref<128x64xf32, #tpu.memory_space<hbm>>
        %dma_wait3A_93 = arith.constant 0 : i32
        %dma_wait3A_94 = arith.constant 0 : i32
        %dma_wait3A_95 = tpu.memref_slice %arg7[%dma_wait3A_93, %dma_wait3A_94] : memref<128x128xf32, #tpu.memory_space<vmem>> -> memref<128x64xf32, #tpu.memory_space<vmem>>
        tpu.wait_dma2 semaphore(%run_scoped3A_71 : memref<!tpu.dma_semaphore, #tpu.memory_space<semaphore_mem>>) src(%dma_wait3A_95 : memref<128x64xf32, #tpu.memory_space<vmem>>) dst(%dma_wait3A_92 : memref<128x64xf32, #tpu.memory_space<hbm>>)
        tpu.yield
      }) : () -> ()
      %add3A_63 = arith.constant 2 : i32
      %add3A_64 = arith.addi %add3A_56, %add3A_63 : i32
      %dma_start3A_65 = arith.constant 0 : i32
      %dma_start3A_66 = tpu.memref_slice %arg5[%add3A_64, %dma_start3A_65] : memref<50x128xi32, #tpu.memory_space<vmem>> -> memref<1x128xi32, #tpu.memory_space<vmem>>
      %dma_start3A_67 = tpu.memref_squeeze %dma_start3A_66 : memref<1x128xi32, #tpu.memory_space<vmem>> -> memref<128xi32, #tpu.memory_space<vmem>>
      %dma_start3A_68 = arith.constant 0 : i32
      %dma_start3A_69 = arith.constant 0 : i32
      %dma_start3A_70 = tpu.memref_slice %arg3[%dma_start3A_68, %dma_start3A_69] : memref<1000000x128xf32, #tpu.memory_space<hbm>> -> memref<1000000x128xf32, #tpu.memory_space<hbm>>
      tpu.enqueue_indirect_dma source(%dma_start3A_70 : memref<1000000x128xf32, #tpu.memory_space<hbm>>) target(%arg7 : memref<128x128xf32, #tpu.memory_space<vmem>>) offsets(%dma_start3A_67 : memref<128xi32, #tpu.memory_space<vmem>>) semaphore(%arg9 : memref<!tpu.dma_semaphore, #tpu.memory_space<semaphore_mem>>)
    }
    %scan3A_19 = arith.constant 24 : i32
    %dma_wait3A = arith.constant 48 : i32
    %dma_wait3A_20 = arith.constant 0 : i32
    %dma_wait3A_21 = tpu.memref_slice %arg5[%dma_wait3A, %dma_wait3A_20] : memref<50x128xi32, #tpu.memory_space<vmem>> -> memref<1x128xi32, #tpu.memory_space<vmem>>
    %dma_wait3A_22 = tpu.memref_squeeze %dma_wait3A_21 : memref<1x128xi32, #tpu.memory_space<vmem>> -> memref<128xi32, #tpu.memory_space<vmem>>
    %dma_wait3A_23 = arith.constant 0 : i32
    %dma_wait3A_24 = arith.constant 0 : i32
    %dma_wait3A_25 = tpu.memref_slice %arg3[%dma_wait3A_23, %dma_wait3A_24] : memref<1000000x128xf32, #tpu.memory_space<hbm>> -> memref<1000000x128xf32, #tpu.memory_space<hbm>>
    tpu.wait_indirect_dma semaphore(%arg8 : memref<!tpu.dma_semaphore, #tpu.memory_space<semaphore_mem>>) src(%dma_wait3A_25 : memref<1000000x128xf32, #tpu.memory_space<hbm>>) dst(%arg6 : memref<128x128xf32, #tpu.memory_space<vmem>>)
    %run_scoped3A = arith.constant 48 : i32
    "tpu.region"() ({
      %run_scoped3A_34 = tpu.sem_alloc : memref<!tpu.dma_semaphore, #tpu.memory_space<semaphore_mem>>
      %dma_start3A_35 = arith.constant 0 : i32
      %dma_start3A_36 = arith.constant 0 : i32
      %dma_start3A_37 = tpu.memref_slice %arg6[%dma_start3A_35, %dma_start3A_36] : memref<128x128xf32, #tpu.memory_space<vmem>> -> memref<128x64xf32, #tpu.memory_space<vmem>>
      %dma_start3A_38 = arith.constant 0 : i32
      %dma_start3A_39 = tpu.memref_slice %arg4[%mul3A_2, %run_scoped3A, %dma_start3A_38] : memref<4096x56x128xf32, #tpu.memory_space<hbm>> -> memref<128x1x64xf32, #tpu.memory_space<hbm>>
      %dma_start3A_40 = tpu.memref_squeeze %dma_start3A_39 : memref<128x1x64xf32, #tpu.memory_space<hbm>> -> memref<128x64xf32, #tpu.memory_space<hbm>>
      %dma_start3A_41 = arith.constant 0 : i32
      %dma_start3A_42 = tpu.memref_slice %arg4[%mul3A_2, %run_scoped3A, %dma_start3A_41] : memref<4096x56x128xf32, #tpu.memory_space<hbm>> -> memref<128x1x64xf32, #tpu.memory_space<hbm>>
      %dma_start3A_43 = tpu.memref_squeeze %dma_start3A_42 : memref<128x1x64xf32, #tpu.memory_space<hbm>> -> memref<128x64xf32, #tpu.memory_space<hbm>>
      %dma_start3A_44 = arith.constant 0 : i32
      %dma_start3A_45 = arith.constant 0 : i32
      %dma_start3A_46 = tpu.memref_slice %arg6[%dma_start3A_44, %dma_start3A_45] : memref<128x128xf32, #tpu.memory_space<vmem>> -> memref<128x64xf32, #tpu.memory_space<vmem>>
      tpu.enqueue_dma source(%dma_start3A_46 : memref<128x64xf32, #tpu.memory_space<vmem>>) target(%dma_start3A_43 : memref<128x64xf32, #tpu.memory_space<hbm>>) target_semaphore(%run_scoped3A_34 : memref<!tpu.dma_semaphore, #tpu.memory_space<semaphore_mem>>)
      %dma_wait3A_47 = arith.constant 0 : i32
      %dma_wait3A_48 = arith.constant 0 : i32
      %dma_wait3A_49 = tpu.memref_slice %arg6[%dma_wait3A_47, %dma_wait3A_48] : memref<128x128xf32, #tpu.memory_space<vmem>> -> memref<128x64xf32, #tpu.memory_space<vmem>>
      %dma_wait3A_50 = arith.constant 0 : i32
      %dma_wait3A_51 = tpu.memref_slice %arg4[%mul3A_2, %run_scoped3A, %dma_wait3A_50] : memref<4096x56x128xf32, #tpu.memory_space<hbm>> -> memref<128x1x64xf32, #tpu.memory_space<hbm>>
      %dma_wait3A_52 = tpu.memref_squeeze %dma_wait3A_51 : memref<128x1x64xf32, #tpu.memory_space<hbm>> -> memref<128x64xf32, #tpu.memory_space<hbm>>
      %dma_wait3A_53 = arith.constant 0 : i32
      %dma_wait3A_54 = tpu.memref_slice %arg4[%mul3A_2, %run_scoped3A, %dma_wait3A_53] : memref<4096x56x128xf32, #tpu.memory_space<hbm>> -> memref<128x1x64xf32, #tpu.memory_space<hbm>>
      %dma_wait3A_55 = tpu.memref_squeeze %dma_wait3A_54 : memref<128x1x64xf32, #tpu.memory_space<hbm>> -> memref<128x64xf32, #tpu.memory_space<hbm>>
      %dma_wait3A_56 = arith.constant 0 : i32
      %dma_wait3A_57 = arith.constant 0 : i32
      %dma_wait3A_58 = tpu.memref_slice %arg6[%dma_wait3A_56, %dma_wait3A_57] : memref<128x128xf32, #tpu.memory_space<vmem>> -> memref<128x64xf32, #tpu.memory_space<vmem>>
      tpu.wait_dma2 semaphore(%run_scoped3A_34 : memref<!tpu.dma_semaphore, #tpu.memory_space<semaphore_mem>>) src(%dma_wait3A_58 : memref<128x64xf32, #tpu.memory_space<vmem>>) dst(%dma_wait3A_55 : memref<128x64xf32, #tpu.memory_space<hbm>>)
      tpu.yield
    }) : () -> ()
    %dma_wait3A_26 = arith.constant 49 : i32
    %dma_wait3A_27 = arith.constant 0 : i32
    %dma_wait3A_28 = tpu.memref_slice %arg5[%dma_wait3A_26, %dma_wait3A_27] : memref<50x128xi32, #tpu.memory_space<vmem>> -> memref<1x128xi32, #tpu.memory_space<vmem>>
    %dma_wait3A_29 = tpu.memref_squeeze %dma_wait3A_28 : memref<1x128xi32, #tpu.memory_space<vmem>> -> memref<128xi32, #tpu.memory_space<vmem>>
    %dma_wait3A_30 = arith.constant 0 : i32
    %dma_wait3A_31 = arith.constant 0 : i32
    %dma_wait3A_32 = tpu.memref_slice %arg3[%dma_wait3A_30, %dma_wait3A_31] : memref<1000000x128xf32, #tpu.memory_space<hbm>> -> memref<1000000x128xf32, #tpu.memory_space<hbm>>
    tpu.wait_indirect_dma semaphore(%arg9 : memref<!tpu.dma_semaphore, #tpu.memory_space<semaphore_mem>>) src(%dma_wait3A_32 : memref<1000000x128xf32, #tpu.memory_space<hbm>>) dst(%arg7 : memref<128x128xf32, #tpu.memory_space<vmem>>)
    %run_scoped3A_33 = arith.constant 49 : i32
    "tpu.region"() ({
      %run_scoped3A_34 = tpu.sem_alloc : memref<!tpu.dma_semaphore, #tpu.memory_space<semaphore_mem>>
      %dma_start3A_35 = arith.constant 0 : i32
      %dma_start3A_36 = arith.constant 0 : i32
      %dma_start3A_37 = tpu.memref_slice %arg7[%dma_start3A_35, %dma_start3A_36] : memref<128x128xf32, #tpu.memory_space<vmem>> -> memref<128x64xf32, #tpu.memory_space<vmem>>
      %dma_start3A_38 = arith.constant 0 : i32
      %dma_start3A_39 = tpu.memref_slice %arg4[%mul3A_2, %run_scoped3A_33, %dma_start3A_38] : memref<4096x56x128xf32, #tpu.memory_space<hbm>> -> memref<128x1x64xf32, #tpu.memory_space<hbm>>
      %dma_start3A_40 = tpu.memref_squeeze %dma_start3A_39 : memref<128x1x64xf32, #tpu.memory_space<hbm>> -> memref<128x64xf32, #tpu.memory_space<hbm>>
      %dma_start3A_41 = arith.constant 0 : i32
      %dma_start3A_42 = tpu.memref_slice %arg4[%mul3A_2, %run_scoped3A_33, %dma_start3A_41] : memref<4096x56x128xf32, #tpu.memory_space<hbm>> -> memref<128x1x64xf32, #tpu.memory_space<hbm>>
      %dma_start3A_43 = tpu.memref_squeeze %dma_start3A_42 : memref<128x1x64xf32, #tpu.memory_space<hbm>> -> memref<128x64xf32, #tpu.memory_space<hbm>>
      %dma_start3A_44 = arith.constant 0 : i32
      %dma_start3A_45 = arith.constant 0 : i32
      %dma_start3A_46 = tpu.memref_slice %arg7[%dma_start3A_44, %dma_start3A_45] : memref<128x128xf32, #tpu.memory_space<vmem>> -> memref<128x64xf32, #tpu.memory_space<vmem>>
      tpu.enqueue_dma source(%dma_start3A_46 : memref<128x64xf32, #tpu.memory_space<vmem>>) target(%dma_start3A_43 : memref<128x64xf32, #tpu.memory_space<hbm>>) target_semaphore(%run_scoped3A_34 : memref<!tpu.dma_semaphore, #tpu.memory_space<semaphore_mem>>)
      %dma_wait3A_47 = arith.constant 0 : i32
      %dma_wait3A_48 = arith.constant 0 : i32
      %dma_wait3A_49 = tpu.memref_slice %arg7[%dma_wait3A_47, %dma_wait3A_48] : memref<128x128xf32, #tpu.memory_space<vmem>> -> memref<128x64xf32, #tpu.memory_space<vmem>>
      %dma_wait3A_50 = arith.constant 0 : i32
      %dma_wait3A_51 = tpu.memref_slice %arg4[%mul3A_2, %run_scoped3A_33, %dma_wait3A_50] : memref<4096x56x128xf32, #tpu.memory_space<hbm>> -> memref<128x1x64xf32, #tpu.memory_space<hbm>>
      %dma_wait3A_52 = tpu.memref_squeeze %dma_wait3A_51 : memref<128x1x64xf32, #tpu.memory_space<hbm>> -> memref<128x64xf32, #tpu.memory_space<hbm>>
      %dma_wait3A_53 = arith.constant 0 : i32
      %dma_wait3A_54 = tpu.memref_slice %arg4[%mul3A_2, %run_scoped3A_33, %dma_wait3A_53] : memref<4096x56x128xf32, #tpu.memory_space<hbm>> -> memref<128x1x64xf32, #tpu.memory_space<hbm>>
      %dma_wait3A_55 = tpu.memref_squeeze %dma_wait3A_54 : memref<128x1x64xf32, #tpu.memory_space<hbm>> -> memref<128x64xf32, #tpu.memory_space<hbm>>
      %dma_wait3A_56 = arith.constant 0 : i32
      %dma_wait3A_57 = arith.constant 0 : i32
      %dma_wait3A_58 = tpu.memref_slice %arg7[%dma_wait3A_56, %dma_wait3A_57] : memref<128x128xf32, #tpu.memory_space<vmem>> -> memref<128x64xf32, #tpu.memory_space<vmem>>
      tpu.wait_dma2 semaphore(%run_scoped3A_34 : memref<!tpu.dma_semaphore, #tpu.memory_space<semaphore_mem>>) src(%dma_wait3A_58 : memref<128x64xf32, #tpu.memory_space<vmem>>) dst(%dma_wait3A_55 : memref<128x64xf32, #tpu.memory_space<hbm>>)
      tpu.yield
    }) : () -> ()
    return
  }
}

</mosaic_0001>

<sc_bundles>
// kernel: _lookup.3.cloned.1.call-start
scs
__scs_entry_jumppad:
0x0: {  	(pc) =	sbr.rel $0x88, $3  }
0x1: {  	(tag) =	ssettag $0x0;
	lr =	simm.s32 $0x1  }
0x2: {  	[smem:$0x3F9F] =	sst lr;
	_ =	strace $0xD0000000  }
0x3: {  	_ = 	snop  }
0x4: {  	_ = 	snop  }
0x5: {  	_ = 	snop  }
0x6: {  	_ = 	snop  }
0x7: {  	_ = 	snop  }
__scs_overlays_trampoline_lowered:
0x8: {  	[smem:$0x3FAE] =	sst s0  }
0x9: {  	[smem:$0x3FAF] =	sst s1  }
0xa: {  	[smem:$0x3FB0] =	sst s2  }
0xb: {  	[smem:$0x3FB1] =	sst s3  }
0xc: {  	[smem:$0x3FB2] =	sst s4  }
0xd: {  	[smem:$0x3FB3] =	sst s5  }
0xe: {  	[smem:$0x3FB4] =	sst s6  }
0xf: {  	[smem:$0x3FB5] =	sst s7  }
0x10: {  	[smem:$0x3FB6] =	sst s8  }
0x11: {  	[smem:$0x3FB7] =	sst s9;
	s0 =	simm.s32 @!p0 $0x0  }
0x12: {  	s1 =	sld [smem:$0x3F9D];
	s0 =	simm.s32 @p0 $0x1  }
0x13: {  	[smem:$0x3FB8] =	sst s0;
	s0 =	simm.s32 @!p1 $0x0  }
0x14: {  	s2 =	sld [smem:$0x3F9C];
	s0 =	simm.s32 @p1 $0x1  }
0x15: {  	[smem:$0x3FB9] =	sst s0;
	s0 =	simm.s32 @!p2 $0x0  }
0x16: {  	s3 =	sld [smem:$0x3FDB];
	s0 =	simm.s32 @p2 $0x1  }
0x17: {  	s4 =	simm.s32 $0x1BF5;
	[smem:$0x3FBB] =	sst s0  }
0x18: {  	s0 =	sld [smem:$0x3F9E];
	_ =	swait.ge [sflag:s4], $0x0  }
0x19: {  	s7 =	sld [smem:$0x3F9F]  }
0x1a: {  	s8 =	sadd.s32 $0xFFFFE003, lr  }
0x1b: {  	s9 =	sadd.s32 $0xFFFFFEF7, lr;
	s5 =	simm.s32 $0xFFFFFFFF;
	p2 =	slt.u32 s8, $0xFFFFF086  }
0x1c: {  	p1 =	slt.u32 s9, $0xF7A;
	s5 =	simm.s32 @!p2 $0x0  }
0x1d: {  	s5 =	simm.s32 @p1 $0x1;
	p0 =	seq.s32 s7, s2  }
0x1e: {  	s7 =	smul.u32 @!p0 $0xF7A, s2;
	p2 =	seq.s32 @!p0 s5, $0x0  }
0x1f: {  	s9 =	smul.u32 $0xF7A, s1;
	s8 =	simm.s32 @!p0 $0x1BF5;
	p2 =	por !p2, p0  }
0x20: {  	[sflag:s8] =	ssyncset.s32 @!p0 $0xFFFFF086;
	s6 =	sadd.s32 @!p0 s3, s7;
	s7 =	simm.s32 @!p0 $0x108  }
0x21: {  	s3 =	sadd.s32 s3, s9;
	s6 =	sadd.s32 @!p0 $0x88, s6;
	s7 =	simm.s32 @p2 $0x1082  }
0x22: {  	[simem:s7], [sflag:s8] =	dma.local @!p0 [hbm:s6], $0xF7A  }
0x23: {  	s9 =	sor.u32 $0xD0000000, s2;
	s6 =	simm.s32 $0x108;
	_ =	swait.ge @!p0 [sflag:s8], $0x0  }
0x24: {  	s3 =	sadd.s32 $0x88, s3;
	s6 =	simm.s32 @!p1 $0x1082;
	[sflag:s4] =	ssyncset.s32 $0xFFFFF086  }
0x25: {  	[simem:s6], [sflag:s4] =	dma.local [hbm:s3], $0xF7A  }
0x26: {  	[smem:$0x3F9F] =	sst s1;
	(tag) =	ssettag s2;
	_ =	strace s9  }
0x27: {  	s1 =	sld [smem:$0x3FAF]  }
0x28: {  	s2 =	sld [smem:$0x3FB0]  }
0x29: {  	s4 =	sld [smem:$0x3FB2]  }
0x2a: {  	p0 =	seq.s32 s5, $0x0;
	s5 =	sld [smem:$0x3FB3]  }
0x2b: {  	s6 =	sld [smem:$0x3FB4]  }
0x2c: {  	s7 =	sld [smem:$0x3FB5]  }
0x2d: {  	s3 =	simm.s32 $0x108;
	s8 =	sld [smem:$0x3FB6]  }
0x2e: {  	s3 =	simm.s32 @!p0 $0x1082;
	s9 =	sld [smem:$0x3FB7]  }
0x2f: {  	lr =	sadd.s32 s0, s3;
	s0 =	sld [smem:$0x3FAE]  }
0x30: {  	s3 =	sld [smem:$0x3FB1]  }
0x31: {  	[smem:$0x3FBA] =	sst s10  }
0x32: {  	s10 =	sld [smem:$0x3FB8];
	_ =	sdelay $0x3  }
0x33: {  	p0 =	seq.s32 s10, $0x1;
	s10 =	sld [smem:$0x3FBA];
	_ =	sdelay $0x3  }
0x34: {  	[smem:$0x3FBA] =	sst s10  }
0x35: {  	s10 =	sld [smem:$0x3FB9];
	_ =	sdelay $0x3  }
0x36: {  	p1 =	seq.s32 s10, $0x1;
	s10 =	sld [smem:$0x3FBA];
	_ =	sdelay $0x3  }
0x37: {  	[smem:$0x3FBA] =	sst s10  }
0x38: {  	s10 =	sld [smem:$0x3FBB]  }
0x39: {  	_ = 	snop;
	(pc) =	sbr.ind lr, $3  }
0x3a: {  	_ = 	snop  }
0x3b: {  	_ = 	snop  }
0x3c: {  	p2 =	seq.s32 s10, $0x1;
	s10 =	sld [smem:$0x3FBA]  }
0x3d: {  	_ =	shalt  }
0x3e: {  	_ =	shalt  }
0x3f: {  	_ =	shalt  }
0x40: {  	_ =	shalt  }
0x41: {  	_ =	shalt  }
0x42: {  	_ =	shalt  }
0x43: {  	_ =	shalt  }
0x44: {  	_ =	shalt  }
0x45: {  	_ =	shalt  }
0x46: {  	_ =	shalt  }
0x47: {  	_ =	shalt  }
0x48: {  	_ =	shalt  }
0x49: {  	_ =	shalt  }
0x4a: {  	_ =	shalt  }
0x4b: {  	_ =	shalt  }
0x4c: {  	_ =	shalt  }
0x4d: {  	_ =	shalt  }
0x4e: {  	_ =	shalt  }
0x4f: {  	_ =	shalt  }
0x50: {  	_ =	shalt  }
0x51: {  	_ =	shalt  }
0x52: {  	_ =	shalt  }
0x53: {  	_ =	shalt  }
0x54: {  	_ =	shalt  }
0x55: {  	_ =	shalt  }
0x56: {  	_ =	shalt  }
0x57: {  	_ =	shalt  }
0x58: {  	_ =	shalt  }
0x59: {  	_ =	shalt  }
0x5a: {  	_ =	shalt  }
0x5b: {  	_ =	shalt  }
0x5c: {  	_ =	shalt  }
0x5d: {  	_ =	shalt  }
0x5e: {  	_ =	shalt  }
0x5f: {  	_ =	shalt  }
0x60: {  	_ =	shalt  }
0x61: {  	_ =	shalt  }
0x62: {  	_ =	shalt  }
0x63: {  	_ =	shalt  }
0x64: {  	_ =	shalt  }
0x65: {  	_ =	shalt  }
0x66: {  	_ =	shalt  }
0x67: {  	_ =	shalt  }
0x68: {  	_ =	shalt  }
0x69: {  	_ =	shalt  }
0x6a: {  	_ =	shalt  }
0x6b: {  	_ =	shalt  }
0x6c: {  	_ =	shalt  }
0x6d: {  	_ =	shalt  }
0x6e: {  	_ =	shalt  }
0x6f: {  	_ =	shalt  }
0x70: {  	_ =	shalt  }
0x71: {  	_ =	shalt  }
0x72: {  	_ =	shalt  }
0x73: {  	_ =	shalt  }
0x74: {  	_ =	shalt  }
0x75: {  	_ =	shalt  }
0x76: {  	_ =	shalt  }
0x77: {  	_ =	shalt  }
0x78: {  	_ =	shalt  }
0x79: {  	_ =	shalt  }
0x7a: {  	_ =	shalt  }
0x7b: {  	_ =	shalt  }
0x7c: {  	_ =	shalt  }
0x7d: {  	_ =	shalt  }
0x7e: {  	_ =	shalt  }
0x7f: {  	_ =	shalt  }
0x80: {  	_ =	shalt  }
0x81: {  	_ =	shalt  }
0x82: {  	_ =	shalt  }
0x83: {  	_ =	shalt  }
0x84: {  	_ =	shalt  }
0x85: {  	_ =	shalt  }
0x86: {  	_ =	shalt  }
0x87: {  	_ =	shalt  }
.Lfunc_end0:
.L_simem_size_0:
called_computation_lowered:
.L_overlay_start_0:
0x88: {  	s2 =	sld [smem:$0x3FD9]  }
0x89: {  	s3 =	sld [smem:$0x3FFE];
	_ =	sdelay $0x1  }
0x8a: {  	s1 =	srdreg.scid  }
0x8b: {  	s0 =	sand.u32 $0x1, s1  }
0x8c: {  	s17 =	sshll.u32 s0, $0xA;
	s2 =	sadd.s32 s3, s2  }
0x8d: {  	s2 =	sadd.s32 s2, s17  }
0x8e: {  	[smem:$0x3FC6] =	sst s2  }
0x8f: {  	_ = 	snop  }
0x90: {  	s2 =	sld [smem:$0x3FC8]  }
0x91: {  	s18 =	sld [smem:$0x3FD0];
	(tm) =	ssettm $0x1  }
0x92: {  	s4 =	sld [smem:$0x3FFB];
	_ =	sdelay $0x3  }
0x93: {  	_ =	strace s4  }
0x94: {  	s4 =	sld [smem:$0x3FFC];
	_ =	sdelay $0x3  }
0x95: {  	_ =	strace s4  }
0x96: {  	s4 =	sld [smem:$0x3FFD];
	_ =	sdelay $0x3  }
0x97: {  	_ =	strace s4  }
0x98: {  	_ =	strace $0x8FFFFFFF  }
0x99: {  	s19 =	sld [smem:$0x3FDB];
	_ =	sdelay $0x1  }
0x9a: {  	s5 =	simm.s32 $_scs_section_size  }
0x9b: {  	s6 =	simm.s32 $_size__tile_overlayer_lowered;
	s7 =	simm.s32 $_tile_overlayer_lowered  }
0x9c: {  	s22 =	simm.s32 $0x1BFF;
	s21 =	sshll.u32 s7, $0x1;
	s4 =	sadd.s32 s5, s19  }
0x9d: {  	s8 =	simm.s32 $0x0;
	s20 =	sshll.u32 s6, $0x1;
	s6 =	sadd.s32 s21, s4  }
0x9e: {  	[timem:s8], [sflag:s22] =	dma.local [hbm:s6], s20  }
0x9f: {  	_ =	swait.ge [sflag:s22], s20  }
0xa0: {  	s5 =	ssub.s32 $0x0, s20;
	[sflag:s22] =	ssyncset.done $0x0  }
0xa1: {  	[sflag:s22] =	ssyncadd.s32 s5;
	_ =	sdelay $0x1  }
0xa2: {  	s23 =	simm.s32 $0x1B8B  }
0xa3: {  	_ =	swait.ge [sflag:s23], $0x1  }
0xa4: {  	[sflag:s23] =	ssyncset.done $0x0  }
0xa5: {  	s25 =	simm.s32 $0x1B8E;
	s24 =	sld [smem:$0x3FFE];
	[sflag:s23] =	ssyncadd.s32 $0xFFFFFFFF  }
0xa6: {  	s26 =	simm.s32 $execute0_lowered;
	[smem:$0x3FD2] =	sst s25  }
0xa7: {  	s6 =	sshll.u32 s26, $0x1;
	_ =	strace $0x80000046;
	[dreg:$0x1] =	wrdreg $0xFFFFFFFF  }
0xa8: {  	s28 =	simm.s32 $_size_execute0_lowered;
	s4 =	sadd.s32 s4, s6;
	[dreg:$0x0] =	wrdreg $0x0  }
0xa9: {  	s6 =	sshll.u32 s28, $0x1;
	[dreg:$0x2] =	wrdreg s4  }
0xaa: {  	[dreg:$0x3] =	wrdreg s6  }
0xab: {  	[dreg:$0x4] =	wrdreg $0xC0  }
0xac: {  	_ =	task [dreg:s8], $0x5FFFF  }
0xad: {  	[dreg:$0x1] =	wrdreg $0xFFFFFFFF  }
0xae: {  	[dreg:$0x0] =	wrdreg $0x60  }
0xaf: {  	[dreg:$0x2] =	wrdreg s24  }
0xb0: {  	[dreg:$0x3] =	wrdreg s2  }
0xb1: {  	[dreg:$0x4] =	wrdreg s18  }
0xb2: {  	[dreg:$0x5] =	wrdreg $0x9  }
0xb3: {  	_ =	task.clear_ibuf [dreg:s8], $0x6FFFF;
	_ =	strace $0x90000046  }
0xb4: {  	s29 =	simm.s32 $0x9;
	_ =	strace $0x80000048  }
0xb5: {  	_ =	swait.ge [sflag:s29], $0x1  }
0xb6: {  	[sflag:s29] =	ssyncadd.s32 $0xFFFFFFFF  }
0xb7: {  	_ =	strace $0x90000048  }
0xb8: {  	_ =	sfence  }
0xb9: {  	s30 =	sld [smem:$0x0];
	_ =	sdelay $0x2  }
0xba: {  	s31 =	sshll.u32 s1, $0xD;
	s1 =	sshrl.u32 s1, $0x2  }
0xbb: {  	s3 =	sand.u32 $0x4000, s31;
	s1 =	sadd.s32 s1, s30  }
0xbc: {  	s0 =	sor.u32 s3, s0;
	s1 =	sshll.u32 s1, $0x11  }
0xbd: {  	s0 =	sor.u32 s1, s0  }
0xbe: {  	s0 =	sadd.s32 $0x8F2B, s0  }
0xbf: {  	[sflag:s0] =	ssyncadd.remote.s32 $0x1  }
0xc0: {  	_ =	sfence.sel $0xFFFF  }
0xc1: {  	[dreg:$0x0] =	wrdreg $0xFFFFFFFF;
	(pc) =	sbr.abs _section_cstart, $3  }
0xc2: {  	[dreg:$0x1] =	wrdreg $0xFFFFFFFF  }
0xc3: {  	_ =	task.clear_ibuf [dreg:s8], $0x2FFFF;
	_ =	strace $0x9FFFFFFF  }
0xc4: {  	(tm) =	ssettm $0x7FFFFFFF  }
0xc5: {  	_ =	shalt  }
tec
execute0_lowered:
.L_overlay_start_1:
0x0: {  	(tag) =	ssettag $0x1  }
0x1: {  	s5 =	rddreg [dreg:$0x0]  }
0x2: {  	s1 =	rddreg [dreg:$0x1]  }
0x3: {  	s3 =	rddreg [dreg:$0x2]  }
0x4: {  	s0 =	rddreg [dreg:$0x3]  }
0x5: {  	s6 =	srdreg.scid;
	s4 =	simm.s32 $0x0;
	s2 =	stileid.u32  }
0x6: {  	s11 =	simm.s32 $0x80;
	s12 =	simm.s32 $0x1000;
	s13 =	simm.s32 $0x3  }
0x7: {  	s14 =	simm.s32 $0x1900;
	s15 =	simm.s32 $0x5900;
	s16 =	simm.s32 $0x1  }
0x8: {  	s17 =	simm.s32 $0x2;
	s18 =	simm.s32 $0x0;
	s6 =	sand.u32 $0x1, s6  }
0x9: {  	[smem:$0x7FF] =	sst s4;
	s7 =	sshll.u32 s2, $0x8;
	s8 =	sshll.u32 s6, $0x7  }
0xa: {  	_ =	strace $0x80000047;
	s6 =	ssub.s32 $0x2, s6;
	s7 =	sor.u32 s8, s7  }
0xb: {  	s10 =	sshrl.u32 s6, $0x1;
	s8 =	sshrl.u32 s7, $0x3;
	s9 =	smul.u32 $0x380, s7  }
0xc: {  	s10 =	ssub.s32 s6, s10;
	s8 =	sadd.s32 s8, s5;
	s5 =	smul.u32 $0x1C00, s7  }
0xd: {  	s10 =	smax.u32 s10, $0x1;
	s6 =	sadd.s32 $0x400, s8;
	s9 =	sadd.s32 s9, s3  }
0xe: {  	s7 =	sor.u32 $0x80, s5;
	s8 =	sadd.s32 $0x300, s9;
	s9 =	sadd.s32 $0x310, s9  }
.LBB2_1:
0xf: {  	[tilespmem:s4], [sflag:$0x3] =	stream.strided.gather [hbm4b:s6+s11], $0x1900, s12, s11, $0x38;
	[tilespmem:$0x9900] =	vst v63  }
0x10: {  	_ =	swait.ge [sflag:s13], $0x1900  }
0x11: {  	[sflag:s13] =	ssyncset.done $0x0  }
0x12: {  	[sflag:s13] =	ssyncadd.s32 $0xFFFFE700  }
0x13: {  	[tilespmem:s14], [sflag:$0x1] =	stream.indirect.gather [hbm4b:s1+s11], $0x80, s4, s11, $0xb8;
	[tilespmem:$0x9900] =	vst v63  }
0x14: {  	s19 =	simm.s32 $0x0  }
0x15: {  	[tilespmem:s15], [sflag:$0x2] =	stream.indirect.gather [hbm4b:s1+s11], $0x80, s11, s11, $0xb8;
	[tilespmem:$0x9900] =	vst v63  }
.LBB2_2:
0x16: {  	s20 =	sshll.u32 s19, $0x8  }
0x17: {  	_ =	swait.ge [sflag:s16], $0x4000;
	s21 =	sor.u32 s5, s20  }
0x18: {  	[sflag:s16] =	ssyncset.done $0x0;
	s21 =	sshrl.u32 s21, $0x3  }
0x19: {  	s22 =	simm.s32 $0x1900;
	[sflag:s16] =	ssyncadd.s32 $0xFFFFC000;
	s21 =	sadd.s32 s3, s21  }
0x1a: {  	[hbm4b:s21+s4] =	stream.linear.scatter [tilespmem:s22], [sflag:$0x3], $0x40, $0x38;
	[tilespmem:$0x9900] =	vst v63  }
0x1b: {  	s22 =	simm.s32 $0x200  }
.LBB2_3:
0x1c: {  	p0 =	sne.s32 s22, $0xFE00  }
.Ltmp0:
0x1d: {  	_ = 	snop;
	(pc) =	sbr.rel @p0 .LBB2_3-.Ltmp0, $4  }
0x1e: {  	_ = 	snop  }
0x1f: {  	s23 =	sshra.s32 s22, $0x2;
	s22 =	sadd.s32 $0x200, s22  }
0x20: {  	s21 =	sadd.s32 $0x380, s21;
	s23 =	sadd.s32 $0x1900, s23  }
0x21: {  	[hbm4b:s21+s4] =	stream.linear.scatter [tilespmem:s23], [sflag:$0x3], $0x40, $0x38;
	[tilespmem:$0x9900] =	vst v63  }
0x22: {  	_ =	swait.ge [sflag:s13], $0x2000  }
0x23: {  	s21 =	sand.u32 $0x3FFFFF00, s20;
	[sflag:s13] =	ssyncset.done $0x0  }
0x24: {  	s22 =	sadd.s32 $0x100, s21;
	[sflag:s13] =	ssyncadd.s32 $0xFFFFE000  }
0x25: {  	[tilespmem:s14], [sflag:$0x1] =	stream.indirect.gather [hbm4b:s1+s11], $0x80, s22, s11, $0xb8;
	[tilespmem:$0x9900] =	vst v63  }
0x26: {  	s30 =	sor.u32 s7, s20;
	_ =	swait.ge [sflag:s17], $0x4000  }
0x27: {  	s31 =	simm.s32 $0x5900;
	s20 =	sshrl.u32 s30, $0x3;
	[sflag:s17] =	ssyncset.done $0x0  }
0x28: {  	s20 =	sadd.s32 s3, s20;
	s22 =	simm.s32 $0x200;
	[sflag:s17] =	ssyncadd.s32 $0xFFFFC000  }
0x29: {  	[hbm4b:s20+s4] =	stream.linear.scatter [tilespmem:s31], [sflag:$0x3], $0x40, $0x38;
	[tilespmem:$0x9900] =	vst v63  }
.LBB2_5:
0x2a: {  	p0 =	sne.s32 s22, $0xFE00  }
.Ltmp1:
0x2b: {  	_ = 	snop;
	(pc) =	sbr.rel @p0 .LBB2_5-.Ltmp1, $4  }
0x2c: {  	_ = 	snop  }
0x2d: {  	s23 =	sshra.s32 s22, $0x2;
	s22 =	sadd.s32 $0x200, s22  }
0x2e: {  	s20 =	sadd.s32 $0x380, s20;
	s23 =	sadd.s32 $0x5900, s23  }
0x2f: {  	[hbm4b:s20+s4] =	stream.linear.scatter [tilespmem:s23], [sflag:$0x3], $0x40, $0x38;
	[tilespmem:$0x9900] =	vst v63  }
0x30: {  	s19 =	sadd.s32 $0x1, s19  }
0x31: {  	p0 =	sne.s32 s19, $0x18  }
.Ltmp2:
0x32: {  	_ = 	snop;
	(pc) =	sbr.rel @p0 .LBB2_2-.Ltmp2, $4  }
0x33: {  	_ =	swait.ge [sflag:s13], $0x2000  }
0x34: {  	[sflag:s13] =	ssyncset.done $0x0  }
0x35: {  	s20 =	sadd.s32 $0x180, s21;
	[sflag:s13] =	ssyncadd.s32 $0xFFFFE000  }
0x36: {  	[tilespmem:s15], [sflag:$0x2] =	stream.indirect.gather [hbm4b:s1+s11], $0x80, s20, s11, $0xb8;
	[tilespmem:$0x9900] =	vst v63  }
0x37: {  	_ =	swait.ge [sflag:s16], $0x4000  }
0x38: {  	[sflag:s16] =	ssyncset.done $0x0  }
0x39: {  	s19 =	simm.s32 $0x1900;
	[sflag:s16] =	ssyncadd.s32 $0xFFFFC000  }
0x3a: {  	[hbm4b:s8+s4] =	stream.linear.scatter [tilespmem:s19], [sflag:$0x3], $0x40, $0x38;
	[tilespmem:$0x9900] =	vst v63  }
0x3b: {  	s20 =	smov.u32 s8;
	s19 =	simm.s32 $0x200  }
.LBB2_8:
0x3c: {  	p0 =	sne.s32 s19, $0xFE00  }
.Ltmp3:
0x3d: {  	_ = 	snop;
	(pc) =	sbr.rel @p0 .LBB2_8-.Ltmp3, $4  }
0x3e: {  	_ = 	snop  }
0x3f: {  	s21 =	sshra.s32 s19, $0x2;
	s19 =	sadd.s32 $0x200, s19  }
0x40: {  	s20 =	sadd.s32 $0x380, s20;
	s21 =	sadd.s32 $0x1900, s21  }
0x41: {  	[hbm4b:s20+s4] =	stream.linear.scatter [tilespmem:s21], [sflag:$0x3], $0x40, $0x38;
	[tilespmem:$0x9900] =	vst v63  }
0x42: {  	_ =	swait.ge [sflag:s13], $0x2000  }
0x43: {  	[sflag:s13] =	ssyncset.done $0x0  }
0x44: {  	[sflag:s13] =	ssyncadd.s32 $0xFFFFE000  }
0x45: {  	_ =	swait.ge [sflag:s17], $0x4000  }
0x46: {  	[sflag:s17] =	ssyncset.done $0x0  }
0x47: {  	s19 =	simm.s32 $0x5900;
	[sflag:s17] =	ssyncadd.s32 $0xFFFFC000  }
0x48: {  	[hbm4b:s9+s4] =	stream.linear.scatter [tilespmem:s19], [sflag:$0x3], $0x40, $0x38;
	[tilespmem:$0x9900] =	vst v63  }
0x49: {  	s20 =	smov.u32 s9;
	s19 =	simm.s32 $0x200  }
.LBB2_10:
0x4a: {  	p0 =	sne.s32 s19, $0xFE00  }
.Ltmp4:
0x4b: {  	_ = 	snop;
	(pc) =	sbr.rel @p0 .LBB2_10-.Ltmp4, $4  }
0x4c: {  	_ = 	snop  }
0x4d: {  	s21 =	sshra.s32 s19, $0x2;
	s19 =	sadd.s32 $0x200, s19  }
0x4e: {  	s20 =	sadd.s32 $0x380, s20;
	s21 =	sadd.s32 $0x5900, s21  }
0x4f: {  	[hbm4b:s20+s4] =	stream.linear.scatter [tilespmem:s21], [sflag:$0x3], $0x40, $0x38;
	[tilespmem:$0x9900] =	vst v63  }
0x50: {  	s18 =	sadd.s32 $0x1, s18  }
0x51: {  	p0 =	sne.s32 s18, s10  }
.Ltmp5:
0x52: {  	_ = 	snop;
	(pc) =	sbr.rel @p0 .LBB2_1-.Ltmp5, $4  }
0x53: {  	_ = 	snop  }
0x54: {  	_ =	swait.ge [sflag:s13], $0x2000  }
0x55: {  	[sflag:s13] =	ssyncset.done $0x0  }
0x56: {  	[sflag:s13] =	ssyncadd.s32 $0xFFFFE000  }
0x57: {  	_ =	sfence.sel $0x180000  }
0x58: {  	[bflag:$0x0] =	sbarrier.arrive $0xFFFF  }
0x59: {  	p0 =	sne.s32 s2, $0x0;
	_ =	strace $0x90000047  }
0x5a: {  	s0 =	sadd.s32 @!p0 $0x100000, s0;
	[bflag:$0x2] =	sbarrier.arrive $0xFFFF  }
0x5b: {  	[sflag:s0] =	ssyncadd.tile.s32 @!p0 $0x1;
	_ =	shalt  }
.Lfunc_end2:
_tile_overlayer_lowered:
.L_overlay_start_2:
0x5c: {  	(tag) =	ssettag $0x2  }
0x5d: {  	s0 =	rddreg [dreg:$0x0];
	s2 =	stileid.u32  }
0x5e: {  	s1 =	rddreg [dreg:$0x1];
	p0 =	sne.s32 s2, $0x0  }
0x5f: {  	s3 =	rddreg [dreg:$0x2];
	[bflag:$0x3] =	sbarrier.arrive $0xFFFF;
	s2 =	simm.s32 @!p0 $0x1C03  }
0x60: {  	[timem:s3], [sflag:s2] =	dma.local @!p0 [hbm:s0], s1  }
0x61: {  	s0 =	simm.s32 @!p0 $0x3  }
0x62: {  	_ =	swait.ge @!p0 [sflag:s0], s1  }
0x63: {  	s1 =	ssub.s32 @!p0 $0x0, s1;
	[sflag:s0] =	ssyncset.done @!p0 $0x0  }
0x64: {  	[sflag:s0] =	ssyncadd.s32 @!p0 s1  }
0x65: {  	[bflag:$0x3] =	sbarrier.arrive $0xFFFF  }
0x66: {  	_ =	shalt  }

</sc_bundles>
